<compile_context>
chip_gen: v7x
topology: tpu7x:2x2x1
jax: 0.10.2.dev20260603
libtpu: 0.0.44.dev20260713+nightly
codegen_flags: <defaults>
</compile_context>

<pallas_src>
import functools

import jax
import jax.numpy as jnp
from jax import lax
from jax.experimental import pallas as pl
from jax.experimental.pallas import tpu as pltpu
from jax.experimental.pallas import tpu_sc as plsc

_R_M = 1024
_NC = 2
_NS = 16
_NW = _NC * _NS
_CHUNK = 32


@functools.partial(jax.jit, static_argnums=(2, 3))
def _sc_gather(table, gidx, n_out_rows, d):
    rows_pw = n_out_rows // _NW
    nchunks = rows_pw // _CHUNK
    gidx3 = gidx.reshape(_NW, nchunks, _CHUNK)
    mesh = plsc.VectorSubcoreMesh(core_axis_name="c", subcore_axis_name="s")

    @functools.partial(
        pl.kernel,
        out_type=jax.ShapeDtypeStruct((n_out_rows, d), jnp.float32),
        mesh=mesh,
        scratch_types=[
            pltpu.VMEM((nchunks, _CHUNK), jnp.int32),
            pltpu.VMEM((_CHUNK, d), jnp.float32),
            pltpu.VMEM((_CHUNK, d), jnp.float32),
            pltpu.SemaphoreType.DMA,
            pltpu.SemaphoreType.DMA,
        ],
    )
    def k(table_hbm, idx_hbm, out_hbm, idx_v, buf0, buf1, sem0, sem1):
        wid = lax.axis_index("s") * _NC + lax.axis_index("c")
        base = wid * rows_pw
        pltpu.sync_copy(idx_hbm.at[wid], idx_v)

        bufs = (buf0, buf1)
        sems = (sem0, sem1)
        pltpu.async_copy(table_hbm.at[idx_v.at[0]], buf0, sem0)

        def body(j, carry):
            slot = lax.rem(j, 2)

            def per_slot(s):
                @pl.when(j + 1 < nchunks)
                def _():
                    other = 1 - s
                    pltpu.async_copy(
                        table_hbm.at[idx_v.at[j + 1]], bufs[other], sems[other]
                    )

                pltpu.make_async_copy(
                    table_hbm.at[idx_v.at[j]], bufs[s], sems[s]
                ).wait()
                pltpu.sync_copy(
                    bufs[s], out_hbm.at[pl.ds(base + j * _CHUNK, _CHUNK)]
                )

            @pl.when(slot == 0)
            def _():
                per_slot(0)

            @pl.when(slot == 1)
            def _():
                per_slot(1)

            return carry

        lax.fori_loop(0, nchunks, body, 0)

    return k(table, gidx3)


def kernel(tokens):
    B, F, D = tokens.shape
    indices = jnp.linspace(0.0, float(F - 1), _R_M).astype(jnp.int32)
    indices = jnp.broadcast_to(indices[None, :], (B, _R_M))
    gidx = (
        jnp.arange(B, dtype=jnp.int32)[:, None] * F + indices
    ).reshape(-1)
    table = tokens.reshape(B * F, D)
    out = _sc_gather(table, gidx, B * _R_M, D)
    return out.reshape(B, _R_M, D), indices

# --- scband reference (transcript-rebuilt; emitter-appended) ---
"""Pipeline reference for scband-token-pruning-sampler-13907104105010 (READ-ONLY COPY).

The authoritative reference and input builder live on the scoring server;
editing this copy changes nothing except your own understanding.
"""

import jax, jax.numpy as jnp
import numpy as np

R_M = 1024


def setup_inputs(seed: int = 0) -> dict:
    key = jax.random.key(seed)
    tokens = jax.random.normal(key, (16, 4096, 1024), dtype=jnp.float32)
    return {"tokens": tokens}


def reference(tokens):
    B = tokens.shape[0]
    F = tokens.shape[1]
    # torch.linspace(0, F-1, r_m).long() -> truncation toward zero (floor for non-negative)
    indices = jnp.linspace(0.0, float(F - 1), R_M).astype(jnp.int32)
    indices = jnp.broadcast_to(indices[None, :], (B, R_M))
    if tokens.ndim == 4:
        J, C = tokens.shape[2], tokens.shape[3]
        gather_indices = jnp.broadcast_to(indices[:, :, None, None], (B, R_M, J, C))
        sampled_tokens = jnp.take_along_axis(tokens, gather_indices, axis=1)
    else:
        D = tokens.shape[2]
        gather_indices = jnp.broadcast_to(indices[:, :, None], (B, R_M, D))
        sampled_tokens = jnp.take_along_axis(tokens, gather_indices, axis=1)
    return sampled_tokens, indices

if __name__ == "__main__":
    import jax
    _d = setup_inputs()
    print(jax.jit(kernel)(*tuple(_d.values())))

</pallas_src>

<mosaic_0001>
#map = affine_map<(d0, d1) -> (0, 0)>
#map1 = affine_map<(d0, d1) -> (0, 0, 0)>
module attributes {stable_mosaic.version = 14 : i64} {
  func.func @k(%arg0: i32, %arg1: i32, %arg2: memref<65536x1024xf32, #tpu.memory_space<hbm>>, %arg3: memref<32x16x32xi32, #tpu.memory_space<hbm>>, %arg4: memref<16384x1024xf32, #tpu.memory_space<hbm>>, %arg5: memref<16x32xi32, #tpu.memory_space<vmem>>, %arg6: memref<32x1024xf32, #tpu.memory_space<vmem>>, %arg7: memref<32x1024xf32, #tpu.memory_space<vmem>>, %arg8: memref<!tpu.dma_semaphore, #tpu.memory_space<semaphore_mem>>, %arg9: memref<!tpu.dma_semaphore, #tpu.memory_space<semaphore_mem>>) attributes {dimension_semantics = [#tpu.dimension_semantics<core_parallel>, #tpu.dimension_semantics<subcore_parallel>], iteration_bounds = array<i64: 2, 16>, scalar_prefetch = 0 : i64, scratch_operands = 5 : i64, tpu.core_type = #tpu.core_type<sc_vector_subcore>, window_params = [{transform_indices = #map}, {transform_indices = #map1}, {transform_indices = #map}]} {
    %mul3A = arith.constant 2 : i32
    %mul3A_0 = arith.muli %arg1, %mul3A : i32
    %add3A = arith.addi %mul3A_0, %arg0 : i32
    %mul3A_1 = arith.constant 512 : i32
    %mul3A_2 = arith.muli %add3A, %mul3A_1 : i32
    "tpu.region"() ({
      %run_scoped3A = tpu.sem_alloc : memref<!tpu.dma_semaphore, #tpu.memory_space<semaphore_mem>>
      %dma_start3A_14 = arith.constant 0 : i32
      %dma_start3A_15 = arith.constant 0 : i32
      %dma_start3A_16 = tpu.memref_slice %arg3[%add3A, %dma_start3A_14, %dma_start3A_15] : memref<32x16x32xi32, #tpu.memory_space<hbm>> -> memref<1x16x32xi32, #tpu.memory_space<hbm>>
      %dma_start3A_17 = tpu.memref_squeeze %dma_start3A_16 : memref<1x16x32xi32, #tpu.memory_space<hbm>> -> memref<16x32xi32, #tpu.memory_space<hbm>>
      %dma_start3A_18 = arith.constant 0 : i32
      %dma_start3A_19 = arith.constant 0 : i32
      %dma_start3A_20 = tpu.memref_slice %arg3[%add3A, %dma_start3A_18, %dma_start3A_19] : memref<32x16x32xi32, #tpu.memory_space<hbm>> -> memref<1x16x32xi32, #tpu.memory_space<hbm>>
      %dma_start3A_21 = tpu.memref_squeeze %dma_start3A_20 : memref<1x16x32xi32, #tpu.memory_space<hbm>> -> memref<16x32xi32, #tpu.memory_space<hbm>>
      tpu.enqueue_dma source(%dma_start3A_21 : memref<16x32xi32, #tpu.memory_space<hbm>>) target(%arg5 : memref<16x32xi32, #tpu.memory_space<vmem>>) target_semaphore(%run_scoped3A : memref<!tpu.dma_semaphore, #tpu.memory_space<semaphore_mem>>)
      %dma_wait3A = arith.constant 0 : i32
      %dma_wait3A_22 = arith.constant 0 : i32
      %dma_wait3A_23 = tpu.memref_slice %arg3[%add3A, %dma_wait3A, %dma_wait3A_22] : memref<32x16x32xi32, #tpu.memory_space<hbm>> -> memref<1x16x32xi32, #tpu.memory_space<hbm>>
      %dma_wait3A_24 = tpu.memref_squeeze %dma_wait3A_23 : memref<1x16x32xi32, #tpu.memory_space<hbm>> -> memref<16x32xi32, #tpu.memory_space<hbm>>
      %dma_wait3A_25 = arith.constant 0 : i32
      %dma_wait3A_26 = arith.constant 0 : i32
      %dma_wait3A_27 = tpu.memref_slice %arg3[%add3A, %dma_wait3A_25, %dma_wait3A_26] : memref<32x16x32xi32, #tpu.memory_space<hbm>> -> memref<1x16x32xi32, #tpu.memory_space<hbm>>
      %dma_wait3A_28 = tpu.memref_squeeze %dma_wait3A_27 : memref<1x16x32xi32, #tpu.memory_space<hbm>> -> memref<16x32xi32, #tpu.memory_space<hbm>>
      tpu.wait_dma2 semaphore(%run_scoped3A : memref<!tpu.dma_semaphore, #tpu.memory_space<semaphore_mem>>) src(%dma_wait3A_28 : memref<16x32xi32, #tpu.memory_space<hbm>>) dst(%arg5 : memref<16x32xi32, #tpu.memory_space<vmem>>)
      tpu.yield
    }) : () -> ()
    %dma_start3A = arith.constant 0 : i32
    %dma_start3A_3 = arith.constant 0 : i32
    %dma_start3A_4 = tpu.memref_slice %arg5[%dma_start3A, %dma_start3A_3] : memref<16x32xi32, #tpu.memory_space<vmem>> -> memref<1x32xi32, #tpu.memory_space<vmem>>
    %dma_start3A_5 = tpu.memref_squeeze %dma_start3A_4 : memref<1x32xi32, #tpu.memory_space<vmem>> -> memref<32xi32, #tpu.memory_space<vmem>>
    %dma_start3A_6 = arith.constant 0 : i32
    %dma_start3A_7 = arith.constant 0 : i32
    %dma_start3A_8 = tpu.memref_slice %arg2[%dma_start3A_6, %dma_start3A_7] : memref<65536x1024xf32, #tpu.memory_space<hbm>> -> memref<65536x1024xf32, #tpu.memory_space<hbm>>
    tpu.enqueue_indirect_dma source(%dma_start3A_8 : memref<65536x1024xf32, #tpu.memory_space<hbm>>) target(%arg6 : memref<32x1024xf32, #tpu.memory_space<vmem>>) offsets(%dma_start3A_5 : memref<32xi32, #tpu.memory_space<vmem>>) semaphore(%arg8 : memref<!tpu.dma_semaphore, #tpu.memory_space<semaphore_mem>>)
    %scan3A = arith.constant 0 : i32
    %scan3A_9 = arith.constant 0 : i32
    %scan3A_10 = arith.constant 16 : i32
    %scan3A_11 = arith.addi %scan3A_9, %scan3A_10 : i32
    %scan3A_12 = arith.constant 1 : i32
    scf.for %scan3A_14 = %scan3A_9 to %scan3A_11 step %scan3A_12  : i32 {
      %rem3A = arith.constant 2 : i32
      %rem3A_15 = arith.remsi %scan3A_14, %rem3A : i32
      %eq3A = arith.constant 0 : i32
      %eq3A_16 = arith.cmpi eq, %rem3A_15, %eq3A : i32
      %convert_element_type3A = arith.extui %eq3A_16 : i1 to i32
      %cond3A = arith.constant 0 : i32
      %cond3A_17 = arith.cmpi ne, %convert_element_type3A, %cond3A : i32
      scf.if %cond3A_17 {
        %add3A_23 = arith.constant 1 : i32
        %add3A_24 = arith.addi %scan3A_14, %add3A_23 : i32
        %lt3A = arith.constant 16 : i32
        %lt3A_25 = arith.cmpi slt, %add3A_24, %lt3A : i32
        %convert_element_type3A_26 = arith.extui %lt3A_25 : i1 to i32
        %cond3A_27 = arith.constant 0 : i32
        %cond3A_28 = arith.cmpi ne, %convert_element_type3A_26, %cond3A_27 : i32
        scf.if %cond3A_28 {
          %add3A_37 = arith.constant 1 : i32
          %add3A_38 = arith.addi %scan3A_14, %add3A_37 : i32
          %dma_start3A_39 = arith.constant 0 : i32
          %dma_start3A_40 = tpu.memref_slice %arg5[%add3A_38, %dma_start3A_39] : memref<16x32xi32, #tpu.memory_space<vmem>> -> memref<1x32xi32, #tpu.memory_space<vmem>>
          %dma_start3A_41 = tpu.memref_squeeze %dma_start3A_40 : memref<1x32xi32, #tpu.memory_space<vmem>> -> memref<32xi32, #tpu.memory_space<vmem>>
          %dma_start3A_42 = arith.constant 0 : i32
          %dma_start3A_43 = arith.constant 0 : i32
          %dma_start3A_44 = tpu.memref_slice %arg2[%dma_start3A_42, %dma_start3A_43] : memref<65536x1024xf32, #tpu.memory_space<hbm>> -> memref<65536x1024xf32, #tpu.memory_space<hbm>>
          tpu.enqueue_indirect_dma source(%dma_start3A_44 : memref<65536x1024xf32, #tpu.memory_space<hbm>>) target(%arg7 : memref<32x1024xf32, #tpu.memory_space<vmem>>) offsets(%dma_start3A_41 : memref<32xi32, #tpu.memory_space<vmem>>) semaphore(%arg9 : memref<!tpu.dma_semaphore, #tpu.memory_space<semaphore_mem>>)
        } else {
        }
        %dma_wait3A = arith.constant 0 : i32
        %dma_wait3A_29 = tpu.memref_slice %arg5[%scan3A_14, %dma_wait3A] : memref<16x32xi32, #tpu.memory_space<vmem>> -> memref<1x32xi32, #tpu.memory_space<vmem>>
        %dma_wait3A_30 = tpu.memref_squeeze %dma_wait3A_29 : memref<1x32xi32, #tpu.memory_space<vmem>> -> memref<32xi32, #tpu.memory_space<vmem>>
        %dma_wait3A_31 = arith.constant 0 : i32
        %dma_wait3A_32 = arith.constant 0 : i32
        %dma_wait3A_33 = tpu.memref_slice %arg2[%dma_wait3A_31, %dma_wait3A_32] : memref<65536x1024xf32, #tpu.memory_space<hbm>> -> memref<65536x1024xf32, #tpu.memory_space<hbm>>
        tpu.wait_indirect_dma semaphore(%arg8 : memref<!tpu.dma_semaphore, #tpu.memory_space<semaphore_mem>>) src(%dma_wait3A_33 : memref<65536x1024xf32, #tpu.memory_space<hbm>>) dst(%arg6 : memref<32x1024xf32, #tpu.memory_space<vmem>>)
        %mul3A_34 = arith.constant 32 : i32
        %mul3A_35 = arith.muli %scan3A_14, %mul3A_34 : i32
        %add3A_36 = arith.addi %mul3A_2, %mul3A_35 : i32
        "tpu.region"() ({
          %run_scoped3A = tpu.sem_alloc : memref<!tpu.dma_semaphore, #tpu.memory_space<semaphore_mem>>
          %dma_start3A_37 = arith.constant 0 : i32
          %dma_start3A_38 = tpu.memref_slice %arg4[%add3A_36, %dma_start3A_37] : memref<16384x1024xf32, #tpu.memory_space<hbm>> -> memref<32x1024xf32, #tpu.memory_space<hbm>>
          %dma_start3A_39 = arith.constant 0 : i32
          %dma_start3A_40 = tpu.memref_slice %arg4[%add3A_36, %dma_start3A_39] : memref<16384x1024xf32, #tpu.memory_space<hbm>> -> memref<32x1024xf32, #tpu.memory_space<hbm>>
          tpu.enqueue_dma source(%arg6 : memref<32x1024xf32, #tpu.memory_space<vmem>>) target(%dma_start3A_40 : memref<32x1024xf32, #tpu.memory_space<hbm>>) target_semaphore(%run_scoped3A : memref<!tpu.dma_semaphore, #tpu.memory_space<semaphore_mem>>)
          %dma_wait3A_41 = arith.constant 0 : i32
          %dma_wait3A_42 = tpu.memref_slice %arg4[%add3A_36, %dma_wait3A_41] : memref<16384x1024xf32, #tpu.memory_space<hbm>> -> memref<32x1024xf32, #tpu.memory_space<hbm>>
          %dma_wait3A_43 = arith.constant 0 : i32
          %dma_wait3A_44 = tpu.memref_slice %arg4[%add3A_36, %dma_wait3A_43] : memref<16384x1024xf32, #tpu.memory_space<hbm>> -> memref<32x1024xf32, #tpu.memory_space<hbm>>
          tpu.wait_dma2 semaphore(%run_scoped3A : memref<!tpu.dma_semaphore, #tpu.memory_space<semaphore_mem>>) src(%arg6 : memref<32x1024xf32, #tpu.memory_space<vmem>>) dst(%dma_wait3A_44 : memref<32x1024xf32, #tpu.memory_space<hbm>>)
          tpu.yield
        }) : () -> ()
      } else {
      }
      %eq3A_18 = arith.constant 1 : i32
      %eq3A_19 = arith.cmpi eq, %rem3A_15, %eq3A_18 : i32
      %convert_element_type3A_20 = arith.extui %eq3A_19 : i1 to i32
      %cond3A_21 = arith.constant 0 : i32
      %cond3A_22 = arith.cmpi ne, %convert_element_type3A_20, %cond3A_21 : i32
      scf.if %cond3A_22 {
        %add3A_23 = arith.constant 1 : i32
        %add3A_24 = arith.addi %scan3A_14, %add3A_23 : i32
        %lt3A = arith.constant 16 : i32
        %lt3A_25 = arith.cmpi slt, %add3A_24, %lt3A : i32
        %convert_element_type3A_26 = arith.extui %lt3A_25 : i1 to i32
        %cond3A_27 = arith.constant 0 : i32
        %cond3A_28 = arith.cmpi ne, %convert_element_type3A_26, %cond3A_27 : i32
        scf.if %cond3A_28 {
          %add3A_37 = arith.constant 1 : i32
          %add3A_38 = arith.addi %scan3A_14, %add3A_37 : i32
          %dma_start3A_39 = arith.constant 0 : i32
          %dma_start3A_40 = tpu.memref_slice %arg5[%add3A_38, %dma_start3A_39] : memref<16x32xi32, #tpu.memory_space<vmem>> -> memref<1x32xi32, #tpu.memory_space<vmem>>
          %dma_start3A_41 = tpu.memref_squeeze %dma_start3A_40 : memref<1x32xi32, #tpu.memory_space<vmem>> -> memref<32xi32, #tpu.memory_space<vmem>>
          %dma_start3A_42 = arith.constant 0 : i32
          %dma_start3A_43 = arith.constant 0 : i32
          %dma_start3A_44 = tpu.memref_slice %arg2[%dma_start3A_42, %dma_start3A_43] : memref<65536x1024xf32, #tpu.memory_space<hbm>> -> memref<65536x1024xf32, #tpu.memory_space<hbm>>
          tpu.enqueue_indirect_dma source(%dma_start3A_44 : memref<65536x1024xf32, #tpu.memory_space<hbm>>) target(%arg6 : memref<32x1024xf32, #tpu.memory_space<vmem>>) offsets(%dma_start3A_41 : memref<32xi32, #tpu.memory_space<vmem>>) semaphore(%arg8 : memref<!tpu.dma_semaphore, #tpu.memory_space<semaphore_mem>>)
        } else {
        }
        %dma_wait3A = arith.constant 0 : i32
        %dma_wait3A_29 = tpu.memref_slice %arg5[%scan3A_14, %dma_wait3A] : memref<16x32xi32, #tpu.memory_space<vmem>> -> memref<1x32xi32, #tpu.memory_space<vmem>>
        %dma_wait3A_30 = tpu.memref_squeeze %dma_wait3A_29 : memref<1x32xi32, #tpu.memory_space<vmem>> -> memref<32xi32, #tpu.memory_space<vmem>>
        %dma_wait3A_31 = arith.constant 0 : i32
        %dma_wait3A_32 = arith.constant 0 : i32
        %dma_wait3A_33 = tpu.memref_slice %arg2[%dma_wait3A_31, %dma_wait3A_32] : memref<65536x1024xf32, #tpu.memory_space<hbm>> -> memref<65536x1024xf32, #tpu.memory_space<hbm>>
        tpu.wait_indirect_dma semaphore(%arg9 : memref<!tpu.dma_semaphore, #tpu.memory_space<semaphore_mem>>) src(%dma_wait3A_33 : memref<65536x1024xf32, #tpu.memory_space<hbm>>) dst(%arg7 : memref<32x1024xf32, #tpu.memory_space<vmem>>)
        %mul3A_34 = arith.constant 32 : i32
        %mul3A_35 = arith.muli %scan3A_14, %mul3A_34 : i32
        %add3A_36 = arith.addi %mul3A_2, %mul3A_35 : i32
        "tpu.region"() ({
          %run_scoped3A = tpu.sem_alloc : memref<!tpu.dma_semaphore, #tpu.memory_space<semaphore_mem>>
          %dma_start3A_37 = arith.constant 0 : i32
          %dma_start3A_38 = tpu.memref_slice %arg4[%add3A_36, %dma_start3A_37] : memref<16384x1024xf32, #tpu.memory_space<hbm>> -> memref<32x1024xf32, #tpu.memory_space<hbm>>
          %dma_start3A_39 = arith.constant 0 : i32
          %dma_start3A_40 = tpu.memref_slice %arg4[%add3A_36, %dma_start3A_39] : memref<16384x1024xf32, #tpu.memory_space<hbm>> -> memref<32x1024xf32, #tpu.memory_space<hbm>>
          tpu.enqueue_dma source(%arg7 : memref<32x1024xf32, #tpu.memory_space<vmem>>) target(%dma_start3A_40 : memref<32x1024xf32, #tpu.memory_space<hbm>>) target_semaphore(%run_scoped3A : memref<!tpu.dma_semaphore, #tpu.memory_space<semaphore_mem>>)
          %dma_wait3A_41 = arith.constant 0 : i32
          %dma_wait3A_42 = tpu.memref_slice %arg4[%add3A_36, %dma_wait3A_41] : memref<16384x1024xf32, #tpu.memory_space<hbm>> -> memref<32x1024xf32, #tpu.memory_space<hbm>>
          %dma_wait3A_43 = arith.constant 0 : i32
          %dma_wait3A_44 = tpu.memref_slice %arg4[%add3A_36, %dma_wait3A_43] : memref<16384x1024xf32, #tpu.memory_space<hbm>> -> memref<32x1024xf32, #tpu.memory_space<hbm>>
          tpu.wait_dma2 semaphore(%run_scoped3A : memref<!tpu.dma_semaphore, #tpu.memory_space<semaphore_mem>>) src(%arg7 : memref<32x1024xf32, #tpu.memory_space<vmem>>) dst(%dma_wait3A_44 : memref<32x1024xf32, #tpu.memory_space<hbm>>)
          tpu.yield
        }) : () -> ()
      } else {
      }
    }
    %scan3A_13 = arith.constant 16 : i32
    return
  }
}

</mosaic_0001>

<sc_bundles>
// kernel: _sc_gather.3.cloned.1.call-start
scs
__scs_entry_jumppad:
0x0: {  	(pc) =	sbr.rel $0x88, $3  }
0x1: {  	(tag) =	ssettag $0x0;
	lr =	simm.s32 $0x1  }
0x2: {  	[smem:$0x3F9F] =	sst lr;
	_ =	strace $0xD0000000  }
0x3: {  	_ = 	snop  }
0x4: {  	_ = 	snop  }
0x5: {  	_ = 	snop  }
0x6: {  	_ = 	snop  }
0x7: {  	_ = 	snop  }
__scs_overlays_trampoline_lowered:
0x8: {  	[smem:$0x3FAE] =	sst s0  }
0x9: {  	[smem:$0x3FAF] =	sst s1  }
0xa: {  	[smem:$0x3FB0] =	sst s2  }
0xb: {  	[smem:$0x3FB1] =	sst s3  }
0xc: {  	[smem:$0x3FB2] =	sst s4  }
0xd: {  	[smem:$0x3FB3] =	sst s5  }
0xe: {  	[smem:$0x3FB4] =	sst s6  }
0xf: {  	[smem:$0x3FB5] =	sst s7  }
0x10: {  	[smem:$0x3FB6] =	sst s8  }
0x11: {  	[smem:$0x3FB7] =	sst s9;
	s0 =	simm.s32 @!p0 $0x0  }
0x12: {  	s1 =	sld [smem:$0x3F9D];
	s0 =	simm.s32 @p0 $0x1  }
0x13: {  	[smem:$0x3FB8] =	sst s0;
	s0 =	simm.s32 @!p1 $0x0  }
0x14: {  	s2 =	sld [smem:$0x3F9C];
	s0 =	simm.s32 @p1 $0x1  }
0x15: {  	[smem:$0x3FB9] =	sst s0;
	s0 =	simm.s32 @!p2 $0x0  }
0x16: {  	s3 =	sld [smem:$0x3FDB];
	s0 =	simm.s32 @p2 $0x1  }
0x17: {  	s4 =	simm.s32 $0x1BF5;
	[smem:$0x3FBB] =	sst s0  }
0x18: {  	s0 =	sld [smem:$0x3F9E];
	_ =	swait.ge [sflag:s4], $0x0  }
0x19: {  	s7 =	sld [smem:$0x3F9F]  }
0x1a: {  	s8 =	sadd.s32 $0xFFFFE003, lr  }
0x1b: {  	s9 =	sadd.s32 $0xFFFFFEF7, lr;
	s5 =	simm.s32 $0xFFFFFFFF;
	p2 =	slt.u32 s8, $0xFFFFF086  }
0x1c: {  	p1 =	slt.u32 s9, $0xF7A;
	s5 =	simm.s32 @!p2 $0x0  }
0x1d: {  	s5 =	simm.s32 @p1 $0x1;
	p0 =	seq.s32 s7, s2  }
0x1e: {  	s7 =	smul.u32 @!p0 $0xF7A, s2;
	p2 =	seq.s32 @!p0 s5, $0x0  }
0x1f: {  	s9 =	smul.u32 $0xF7A, s1;
	s8 =	simm.s32 @!p0 $0x1BF5;
	p2 =	por !p2, p0  }
0x20: {  	[sflag:s8] =	ssyncset.s32 @!p0 $0xFFFFF086;
	s6 =	sadd.s32 @!p0 s3, s7;
	s7 =	simm.s32 @!p0 $0x108  }
0x21: {  	s3 =	sadd.s32 s3, s9;
	s6 =	sadd.s32 @!p0 $0x88, s6;
	s7 =	simm.s32 @p2 $0x1082  }
0x22: {  	[simem:s7], [sflag:s8] =	dma.local @!p0 [hbm:s6], $0xF7A  }
0x23: {  	s9 =	sor.u32 $0xD0000000, s2;
	s6 =	simm.s32 $0x108;
	_ =	swait.ge @!p0 [sflag:s8], $0x0  }
0x24: {  	s3 =	sadd.s32 $0x88, s3;
	s6 =	simm.s32 @!p1 $0x1082;
	[sflag:s4] =	ssyncset.s32 $0xFFFFF086  }
0x25: {  	[simem:s6], [sflag:s4] =	dma.local [hbm:s3], $0xF7A  }
0x26: {  	[smem:$0x3F9F] =	sst s1;
	(tag) =	ssettag s2;
	_ =	strace s9  }
0x27: {  	s1 =	sld [smem:$0x3FAF]  }
0x28: {  	s2 =	sld [smem:$0x3FB0]  }
0x29: {  	s4 =	sld [smem:$0x3FB2]  }
0x2a: {  	p0 =	seq.s32 s5, $0x0;
	s5 =	sld [smem:$0x3FB3]  }
0x2b: {  	s6 =	sld [smem:$0x3FB4]  }
0x2c: {  	s7 =	sld [smem:$0x3FB5]  }
0x2d: {  	s3 =	simm.s32 $0x108;
	s8 =	sld [smem:$0x3FB6]  }
0x2e: {  	s3 =	simm.s32 @!p0 $0x1082;
	s9 =	sld [smem:$0x3FB7]  }
0x2f: {  	lr =	sadd.s32 s0, s3;
	s0 =	sld [smem:$0x3FAE]  }
0x30: {  	s3 =	sld [smem:$0x3FB1]  }
0x31: {  	[smem:$0x3FBA] =	sst s10  }
0x32: {  	s10 =	sld [smem:$0x3FB8];
	_ =	sdelay $0x3  }
0x33: {  	p0 =	seq.s32 s10, $0x1;
	s10 =	sld [smem:$0x3FBA];
	_ =	sdelay $0x3  }
0x34: {  	[smem:$0x3FBA] =	sst s10  }
0x35: {  	s10 =	sld [smem:$0x3FB9];
	_ =	sdelay $0x3  }
0x36: {  	p1 =	seq.s32 s10, $0x1;
	s10 =	sld [smem:$0x3FBA];
	_ =	sdelay $0x3  }
0x37: {  	[smem:$0x3FBA] =	sst s10  }
0x38: {  	s10 =	sld [smem:$0x3FBB]  }
0x39: {  	_ = 	snop;
	(pc) =	sbr.ind lr, $3  }
0x3a: {  	_ = 	snop  }
0x3b: {  	_ = 	snop  }
0x3c: {  	p2 =	seq.s32 s10, $0x1;
	s10 =	sld [smem:$0x3FBA]  }
0x3d: {  	_ =	shalt  }
0x3e: {  	_ =	shalt  }
0x3f: {  	_ =	shalt  }
0x40: {  	_ =	shalt  }
0x41: {  	_ =	shalt  }
0x42: {  	_ =	shalt  }
0x43: {  	_ =	shalt  }
0x44: {  	_ =	shalt  }
0x45: {  	_ =	shalt  }
0x46: {  	_ =	shalt  }
0x47: {  	_ =	shalt  }
0x48: {  	_ =	shalt  }
0x49: {  	_ =	shalt  }
0x4a: {  	_ =	shalt  }
0x4b: {  	_ =	shalt  }
0x4c: {  	_ =	shalt  }
0x4d: {  	_ =	shalt  }
0x4e: {  	_ =	shalt  }
0x4f: {  	_ =	shalt  }
0x50: {  	_ =	shalt  }
0x51: {  	_ =	shalt  }
0x52: {  	_ =	shalt  }
0x53: {  	_ =	shalt  }
0x54: {  	_ =	shalt  }
0x55: {  	_ =	shalt  }
0x56: {  	_ =	shalt  }
0x57: {  	_ =	shalt  }
0x58: {  	_ =	shalt  }
0x59: {  	_ =	shalt  }
0x5a: {  	_ =	shalt  }
0x5b: {  	_ =	shalt  }
0x5c: {  	_ =	shalt  }
0x5d: {  	_ =	shalt  }
0x5e: {  	_ =	shalt  }
0x5f: {  	_ =	shalt  }
0x60: {  	_ =	shalt  }
0x61: {  	_ =	shalt  }
0x62: {  	_ =	shalt  }
0x63: {  	_ =	shalt  }
0x64: {  	_ =	shalt  }
0x65: {  	_ =	shalt  }
0x66: {  	_ =	shalt  }
0x67: {  	_ =	shalt  }
0x68: {  	_ =	shalt  }
0x69: {  	_ =	shalt  }
0x6a: {  	_ =	shalt  }
0x6b: {  	_ =	shalt  }
0x6c: {  	_ =	shalt  }
0x6d: {  	_ =	shalt  }
0x6e: {  	_ =	shalt  }
0x6f: {  	_ =	shalt  }
0x70: {  	_ =	shalt  }
0x71: {  	_ =	shalt  }
0x72: {  	_ =	shalt  }
0x73: {  	_ =	shalt  }
0x74: {  	_ =	shalt  }
0x75: {  	_ =	shalt  }
0x76: {  	_ =	shalt  }
0x77: {  	_ =	shalt  }
0x78: {  	_ =	shalt  }
0x79: {  	_ =	shalt  }
0x7a: {  	_ =	shalt  }
0x7b: {  	_ =	shalt  }
0x7c: {  	_ =	shalt  }
0x7d: {  	_ =	shalt  }
0x7e: {  	_ =	shalt  }
0x7f: {  	_ =	shalt  }
0x80: {  	_ =	shalt  }
0x81: {  	_ =	shalt  }
0x82: {  	_ =	shalt  }
0x83: {  	_ =	shalt  }
0x84: {  	_ =	shalt  }
0x85: {  	_ =	shalt  }
0x86: {  	_ =	shalt  }
0x87: {  	_ =	shalt  }
.Lfunc_end0:
.L_simem_size_0:
called_computation_lowered:
.L_overlay_start_0:
0x88: {  	s2 =	sld [smem:$0x3FD9]  }
0x89: {  	s3 =	sld [smem:$0x3FFE];
	_ =	sdelay $0x1  }
0x8a: {  	s1 =	srdreg.scid  }
0x8b: {  	s0 =	sand.u32 $0x1, s1  }
0x8c: {  	s17 =	sshll.u32 s0, $0xA;
	s2 =	sadd.s32 s3, s2  }
0x8d: {  	s2 =	sadd.s32 s2, s17  }
0x8e: {  	[smem:$0x3FC6] =	sst s2  }
0x8f: {  	_ = 	snop  }
0x90: {  	s2 =	sld [smem:$0x3FC9]  }
0x91: {  	s18 =	sld [smem:$0x3FD0];
	(tm) =	ssettm $0x1  }
0x92: {  	s4 =	sld [smem:$0x3FFB];
	_ =	sdelay $0x3  }
0x93: {  	_ =	strace s4  }
0x94: {  	s4 =	sld [smem:$0x3FFC];
	_ =	sdelay $0x3  }
0x95: {  	_ =	strace s4  }
0x96: {  	s4 =	sld [smem:$0x3FFD];
	_ =	sdelay $0x3  }
0x97: {  	_ =	strace s4  }
0x98: {  	_ =	strace $0x8FFFFFFF  }
0x99: {  	s19 =	sld [smem:$0x3FDB];
	_ =	sdelay $0x1  }
0x9a: {  	s5 =	simm.s32 $_scs_section_size  }
0x9b: {  	s6 =	simm.s32 $_size__tile_overlayer_lowered;
	s7 =	simm.s32 $_tile_overlayer_lowered  }
0x9c: {  	s22 =	simm.s32 $0x1BFF;
	s21 =	sshll.u32 s7, $0x1;
	s4 =	sadd.s32 s5, s19  }
0x9d: {  	s8 =	simm.s32 $0x0;
	s20 =	sshll.u32 s6, $0x1;
	s6 =	sadd.s32 s21, s4  }
0x9e: {  	[timem:s8], [sflag:s22] =	dma.local [hbm:s6], s20  }
0x9f: {  	_ =	swait.ge [sflag:s22], s20  }
0xa0: {  	s5 =	ssub.s32 $0x0, s20;
	[sflag:s22] =	ssyncset.done $0x0  }
0xa1: {  	[sflag:s22] =	ssyncadd.s32 s5;
	_ =	sdelay $0x1  }
0xa2: {  	s23 =	simm.s32 $0x1B8B  }
0xa3: {  	_ =	swait.ge [sflag:s23], $0x1  }
0xa4: {  	[sflag:s23] =	ssyncset.done $0x0  }
0xa5: {  	s25 =	simm.s32 $0x1B8E;
	s24 =	sld [smem:$0x3FFE];
	[sflag:s23] =	ssyncadd.s32 $0xFFFFFFFF  }
0xa6: {  	s26 =	simm.s32 $execute0_lowered;
	[smem:$0x3FD2] =	sst s25  }
0xa7: {  	s6 =	sshll.u32 s26, $0x1;
	_ =	strace $0x80000046;
	[dreg:$0x1] =	wrdreg $0xFFFFFFFF  }
0xa8: {  	s28 =	simm.s32 $_size_execute0_lowered;
	s4 =	sadd.s32 s4, s6;
	[dreg:$0x0] =	wrdreg $0x0  }
0xa9: {  	s6 =	sshll.u32 s28, $0x1;
	[dreg:$0x2] =	wrdreg s4  }
0xaa: {  	[dreg:$0x3] =	wrdreg s6  }
0xab: {  	[dreg:$0x4] =	wrdreg $0xC0  }
0xac: {  	_ =	task [dreg:s8], $0x5FFFF  }
0xad: {  	[dreg:$0x1] =	wrdreg $0xFFFFFFFF  }
0xae: {  	[dreg:$0x0] =	wrdreg $0x60  }
0xaf: {  	[dreg:$0x2] =	wrdreg s2  }
0xb0: {  	[dreg:$0x3] =	wrdreg s24  }
0xb1: {  	[dreg:$0x4] =	wrdreg s18  }
0xb2: {  	[dreg:$0x5] =	wrdreg $0x9  }
0xb3: {  	_ =	task.clear_ibuf [dreg:s8], $0x6FFFF;
	_ =	strace $0x90000046  }
0xb4: {  	s29 =	simm.s32 $0x9;
	_ =	strace $0x80000048  }
0xb5: {  	_ =	swait.ge [sflag:s29], $0x1  }
0xb6: {  	[sflag:s29] =	ssyncadd.s32 $0xFFFFFFFF  }
0xb7: {  	_ =	strace $0x90000048  }
0xb8: {  	_ =	sfence  }
0xb9: {  	s30 =	sld [smem:$0x0];
	_ =	sdelay $0x2  }
0xba: {  	s31 =	sshll.u32 s1, $0xD;
	s1 =	sshrl.u32 s1, $0x2  }
0xbb: {  	s3 =	sand.u32 $0x4000, s31;
	s1 =	sadd.s32 s1, s30  }
0xbc: {  	s0 =	sor.u32 s3, s0;
	s1 =	sshll.u32 s1, $0x11  }
0xbd: {  	s0 =	sor.u32 s1, s0  }
0xbe: {  	s0 =	sadd.s32 $0x8F2B, s0  }
0xbf: {  	[sflag:s0] =	ssyncadd.remote.s32 $0x1  }
0xc0: {  	_ =	sfence.sel $0xFFFF  }
0xc1: {  	[dreg:$0x0] =	wrdreg $0xFFFFFFFF;
	(pc) =	sbr.abs _section_cstart, $3  }
0xc2: {  	[dreg:$0x1] =	wrdreg $0xFFFFFFFF  }
0xc3: {  	_ =	task.clear_ibuf [dreg:s8], $0x2FFFF;
	_ =	strace $0x9FFFFFFF  }
0xc4: {  	(tm) =	ssettm $0x7FFFFFFF  }
0xc5: {  	_ =	shalt  }
tec
execute0_lowered:
.L_overlay_start_1:
0x0: {  	(tag) =	ssettag $0x1  }
0x1: {  	s1 =	rddreg [dreg:$0x0]  }
0x2: {  	s0 =	rddreg [dreg:$0x1]  }
0x3: {  	s2 =	rddreg [dreg:$0x2];
	s4 =	srdreg.scid;
	s3 =	simm.s32 $0x0  }
0x4: {  	s9 =	stileid.u32;
	s10 =	simm.s32 $0x3;
	s11 =	simm.s32 $0x800  }
0x5: {  	s28 =	simm.s32 $0x8800;
	s29 =	simm.s32 $0x9000;
	s30 =	simm.s32 $0x9800  }
0x6: {  	s31 =	simm.s32 $0xA000;
	s12 =	simm.s32 $0xB800;
	s13 =	simm.s32 $0xC000  }
0x7: {  	s14 =	simm.s32 $0xC800;
	s15 =	simm.s32 $0xD000;
	s16 =	simm.s32 $0xD800  }
0x8: {  	s17 =	simm.s32 $0xE000;
	s18 =	simm.s32 $0xE800;
	s19 =	simm.s32 $0xF000  }
0x9: {  	s20 =	simm.s32 $0xF800;
	s21 =	simm.s32 $0x10000;
	s22 =	simm.s32 $0x1  }
0xa: {  	s4 =	sand.u32 $0x1, s4;
	s5 =	sshll.u32 s9, $0x9;
	[smem:$0x7FF] =	sst s3  }
0xb: {  	s24 =	sshll.u32 s9, $0x11;
	s6 =	sshll.u32 s4, $0x8;
	s7 =	ssub.s32 $0x2, s4  }
0xc: {  	_ =	strace $0x80000047;
	s25 =	sshll.u32 s4, $0x10;
	s5 =	sor.u32 s6, s5  }
0xd: {  	s23 =	sshrl.u32 s7, $0x1;
	s6 =	sadd.s32 $0x200, s1;
	s0 =	sadd.s32 s5, s0  }
.Ltmp0:
0xe: {  	s8 =	ssub.s32 s7, s23;
	s5 =	sadd.s32 $0x100, s1;
	(pc) =	sbr.rel .LBB2_1-.Ltmp0, $4  }
0xf: {  	s7 =	sadd.s32 $0x300, s1;
	s23 =	simm.s32 $0x2;
	s0 =	sadd.s32 $0x400, s0  }
0x10: {  	v2 =	vlaneseq.u32;
	s26 =	smax.u32 s8, $0x1;
	[dreg:$0x4] =	wrdreg s0;
	s0 =	sadd.s32 s24, s2  }
0x11: {  	vm0 =	vmmov $0xffff;
	v1 =	vshrl.u32 v2, $0x3;
	[dreg:$0x5] =	wrdreg s26;
	s2 =	simm.s32 $0xB000;
	s0 =	sadd.s32 s25, s0  }
0x12: {  	v0 =	vand.u32 $0x7, v2;
	v2 =	vor.u32 $0x8, v2;
	v1 =	vmul.u32 $0x8, v1;
	s24 =	simm.s32 $0x0;
	[dreg:$0x6] =	wrdreg s0;
	s0 =	simm.s32 $0xA800  }
.LBB2_6:
0x13: {  	s24 =	sadd.s32 $0x1, s24;
	s4 =	rddreg [dreg:$0x5]  }
0x14: {  	p0 =	sne.s32 s24, s4  }
.Ltmp1:
0x15: {  	_ = 	snop;
	(pc) =	sbr.rel @!p0 .LBB2_7-.Ltmp1, $1  }
0x16: {  	_ =	sdelay $0x3  }
.LBB2_1:
0x17: {  	s4 =	rddreg [dreg:$0x4]  }
0x18: {  	[tilespmem:s3], [sflag:$0x3] =	stream.linear.gather [hbm4b:s4+s3], $0x800, $0x38;
	[tilespmem:$0x10800] =	vst v63  }
0x19: {  	_ =	swait.ge [sflag:s10], $0x800  }
0x1a: {  	[sflag:s10] =	ssyncset.done $0x0  }
0x1b: {  	[sflag:s10] =	ssyncadd.s32 $0xFFFFF800  }
0x1c: {  	v3 =	vld [tilespmem:$0x0];
	_ =	sdelay $0x4  }
0x1d: {  	v4 =	vshll.u32 v3, $0x3  }
0x1e: {  	v3 =	vand.u32 $0x7, v3;
	v4 =	vand.u32 $0xFFFFFFC0, v4  }
0x1f: {  	v3 =	vor.u32 v3, v4  }
0x20: {  	v4 =	vperm.xlane v3, v0;
	_ =	sdelay $0x1  }
0x21: {  	v4 =	vadd.s32 v1, v4;
	_ =	sdelay $0x4  }
0x22: {  	[tilespmem:s11], [sflag:$0x1] =	stream.indirect_vreg.gather [hbm4b:s1+s3], $0x80, v4, vm0, $0xb8;
	[tilespmem:$0x10800] =	vst v63  }
0x23: {  	s9 =	simm.s32 $0x1000;
	v3 =	vperm.xlane v3, v2  }
0x24: {  	[tilespmem:s9], [sflag:$0x1] =	stream.indirect_vreg.gather [hbm4b:s5+s3], $0x80, v4, vm0, $0xb8;
	[tilespmem:$0x10800] =	vst v63  }
0x25: {  	s25 =	simm.s32 $0x1800;
	v3 =	vadd.s32 v1, v3  }
0x26: {  	[tilespmem:s25], [sflag:$0x1] =	stream.indirect_vreg.gather [hbm4b:s6+s3], $0x80, v4, vm0, $0xb8;
	[tilespmem:$0x10800] =	vst v63  }
0x27: {  	s26 =	simm.s32 $0x2000  }
0x28: {  	[tilespmem:s26], [sflag:$0x1] =	stream.indirect_vreg.gather [hbm4b:s7+s3], $0x80, v4, vm0, $0xb8;
	[tilespmem:$0x10800] =	vst v63  }
0x29: {  	s8 =	simm.s32 $0x2800  }
0x2a: {  	[tilespmem:s8], [sflag:$0x1] =	stream.indirect_vreg.gather [hbm4b:s1+s3], $0x80, v3, vm0, $0xb8;
	[tilespmem:$0x10800] =	vst v63  }
0x2b: {  	s9 =	simm.s32 $0x3000  }
0x2c: {  	[tilespmem:s9], [sflag:$0x1] =	stream.indirect_vreg.gather [hbm4b:s5+s3], $0x80, v3, vm0, $0xb8;
	[tilespmem:$0x10800] =	vst v63  }
0x2d: {  	s25 =	simm.s32 $0x3800  }
0x2e: {  	[tilespmem:s25], [sflag:$0x1] =	stream.indirect_vreg.gather [hbm4b:s6+s3], $0x80, v3, vm0, $0xb8;
	[tilespmem:$0x10800] =	vst v63  }
0x2f: {  	s26 =	simm.s32 $0x4000  }
0x30: {  	[tilespmem:s26], [sflag:$0x1] =	stream.indirect_vreg.gather [hbm4b:s7+s3], $0x80, v3, vm0, $0xb8;
	[tilespmem:$0x10800] =	vst v63  }
0x31: {  	v3 =	vld [tilespmem:$0x10];
	_ =	sdelay $0x4  }
0x32: {  	v63 =	vshll.u32 v3, $0x3  }
0x33: {  	v3 =	vand.u32 $0x7, v3;
	v4 =	vand.u32 $0xFFFFFFC0, v63  }
0x34: {  	v3 =	vor.u32 v3, v4  }
0x35: {  	v4 =	vperm.xlane v3, v0;
	_ =	sdelay $0x1  }
0x36: {  	v4 =	vadd.s32 v1, v4;
	_ =	sdelay $0x3  }
0x37: {  	s8 =	simm.s32 $0x4800  }
0x38: {  	[tilespmem:s8], [sflag:$0x1] =	stream.indirect_vreg.gather [hbm4b:s1+s3], $0x80, v4, vm0, $0xb8;
	[tilespmem:$0x10800] =	vst v63  }
0x39: {  	s9 =	simm.s32 $0x5000;
	v3 =	vperm.xlane v3, v2  }
0x3a: {  	[tilespmem:s9], [sflag:$0x1] =	stream.indirect_vreg.gather [hbm4b:s5+s3], $0x80, v4, vm0, $0xb8;
	[tilespmem:$0x10800] =	vst v63  }
0x3b: {  	s25 =	simm.s32 $0x5800;
	v3 =	vadd.s32 v1, v3  }
0x3c: {  	[tilespmem:s25], [sflag:$0x1] =	stream.indirect_vreg.gather [hbm4b:s6+s3], $0x80, v4, vm0, $0xb8;
	[tilespmem:$0x10800] =	vst v63  }
0x3d: {  	s26 =	simm.s32 $0x6000  }
0x3e: {  	[tilespmem:s26], [sflag:$0x1] =	stream.indirect_vreg.gather [hbm4b:s7+s3], $0x80, v4, vm0, $0xb8;
	[tilespmem:$0x10800] =	vst v63  }
0x3f: {  	s8 =	simm.s32 $0x6800  }
0x40: {  	[tilespmem:s8], [sflag:$0x1] =	stream.indirect_vreg.gather [hbm4b:s1+s3], $0x80, v3, vm0, $0xb8;
	[tilespmem:$0x10800] =	vst v63  }
0x41: {  	s9 =	simm.s32 $0x7000  }
0x42: {  	[tilespmem:s9], [sflag:$0x1] =	stream.indirect_vreg.gather [hbm4b:s5+s3], $0x80, v3, vm0, $0xb8;
	[tilespmem:$0x10800] =	vst v63  }
.Ltmp2:
0x43: {  	_ = 	snop;
	(pc) =	sbr.rel .LBB2_2-.Ltmp2, $4  }
0x44: {  	s4 =	simm.s32 $0x0;
	s25 =	simm.s32 $0x7800  }
0x45: {  	[tilespmem:s25], [sflag:$0x1] =	stream.indirect_vreg.gather [hbm4b:s6+s3], $0x80, v3, vm0, $0xb8;
	[tilespmem:$0x10800] =	vst v63  }
0x46: {  	s26 =	simm.s32 $0x8000;
	s9 =	rddreg [dreg:$0x6];
	s25 =	simm.s32 $0x90  }
0x47: {  	[tilespmem:s26], [sflag:$0x1] =	stream.indirect_vreg.gather [hbm4b:s7+s3], $0x80, v3, vm0, $0xb8;
	[tilespmem:$0x10800] =	vst v63  }
.LBB2_4:
0x48: {  	p0 =	seq.s32 s4, $0xF  }
0x49: {  	v3 =	vld @!p0 [tilespmem:s25+$0xFFFFFFF0];
	_ =	sdelay $0x4  }
0x4a: {  	v4 =	vshll.u32 @!p0 v3, $0x3  }
0x4b: {  	v5 =	vlaneseq.u32 @!p0;
	v3 =	vand.u32 @!p0 $0x7, v3;
	v4 =	vand.u32 @!p0 $0xFFFFFFC0, v4  }
0x4c: {  	v6 =	vshrl.u32 @!p0 v5, $0x3;
	v3 =	vor.u32 @!p0 v3, v4;
	v4 =	vand.u32 @!p0 $0x7, v5  }
0x4d: {  	v6 =	vmul.u32 @!p0 $0x8, v6;
	v7 =	vperm.xlane @!p0 v3, v4;
	_ =	sdelay $0x1  }
0x4e: {  	v7 =	vadd.s32 @!p0 v6, v7;
	_ =	sdelay $0x3  }
0x4f: {  	vm1 =	vmmov @!p0 $0xffff;
	s8 =	simm.s32 @!p0 $0x0;
	s26 =	simm.s32 @!p0 $0x800  }
0x50: {  	v5 =	vor.u32 @!p0 $0x8, v5;
	[tilespmem:s26], [sflag:$0x1] =	stream.indirect_vreg.gather @!p0 [hbm4b:s1+s8], $0x80, v7, vm1, $0xb8;
	[tilespmem:$0x10800] =	vst v63  }
0x51: {  	v3 =	vperm.xlane @!p0 v3, v5;
	s26 =	simm.s32 @!p0 $0x1000  }
0x52: {  	[tilespmem:s26], [sflag:$0x1] =	stream.indirect_vreg.gather @!p0 [hbm4b:s5+s8], $0x80, v7, vm1, $0xb8;
	[tilespmem:$0x10800] =	vst v63  }
0x53: {  	v3 =	vadd.s32 @!p0 v6, v3;
	s26 =	simm.s32 @!p0 $0x1800  }
0x54: {  	[tilespmem:s26], [sflag:$0x1] =	stream.indirect_vreg.gather @!p0 [hbm4b:s6+s8], $0x80, v7, vm1, $0xb8;
	[tilespmem:$0x10800] =	vst v63  }
0x55: {  	s26 =	simm.s32 @!p0 $0x2000  }
0x56: {  	[tilespmem:s26], [sflag:$0x1] =	stream.indirect_vreg.gather @!p0 [hbm4b:s7+s8], $0x80, v7, vm1, $0xb8;
	[tilespmem:$0x10800] =	vst v63  }
0x57: {  	s26 =	simm.s32 @!p0 $0x2800  }
0x58: {  	[tilespmem:s26], [sflag:$0x1] =	stream.indirect_vreg.gather @!p0 [hbm4b:s1+s8], $0x80, v3, vm1, $0xb8;
	[tilespmem:$0x10800] =	vst v63  }
0x59: {  	s26 =	simm.s32 @!p0 $0x3000  }
0x5a: {  	[tilespmem:s26], [sflag:$0x1] =	stream.indirect_vreg.gather @!p0 [hbm4b:s5+s8], $0x80, v3, vm1, $0xb8;
	[tilespmem:$0x10800] =	vst v63  }
0x5b: {  	s26 =	simm.s32 @!p0 $0x3800  }
0x5c: {  	[tilespmem:s26], [sflag:$0x1] =	stream.indirect_vreg.gather @!p0 [hbm4b:s6+s8], $0x80, v3, vm1, $0xb8;
	[tilespmem:$0x10800] =	vst v63  }
0x5d: {  	s26 =	simm.s32 @!p0 $0x4000  }
0x5e: {  	[tilespmem:s26], [sflag:$0x1] =	stream.indirect_vreg.gather @!p0 [hbm4b:s7+s8], $0x80, v3, vm1, $0xb8;
	[tilespmem:$0x10800] =	vst v63  }
0x5f: {  	v3 =	vld @!p0 [tilespmem:s25+$0x0];
	_ =	sdelay $0x4  }
0x60: {  	v7 =	vshll.u32 @!p0 v3, $0x3  }
0x61: {  	v3 =	vand.u32 @!p0 $0x7, v3;
	v7 =	vand.u32 @!p0 $0xFFFFFFC0, v7  }
0x62: {  	v3 =	vor.u32 @!p0 v3, v7  }
0x63: {  	v4 =	vperm.xlane @!p0 v3, v4;
	_ =	sdelay $0x1  }
0x64: {  	v4 =	vadd.s32 @!p0 v6, v4;
	_ =	sdelay $0x3  }
0x65: {  	s26 =	simm.s32 @!p0 $0x4800  }
0x66: {  	[tilespmem:s26], [sflag:$0x1] =	stream.indirect_vreg.gather @!p0 [hbm4b:s1+s8], $0x80, v4, vm1, $0xb8;
	[tilespmem:$0x10800] =	vst v63  }
0x67: {  	v3 =	vperm.xlane @!p0 v3, v5;
	s26 =	simm.s32 @!p0 $0x5000  }
0x68: {  	[tilespmem:s26], [sflag:$0x1] =	stream.indirect_vreg.gather @!p0 [hbm4b:s5+s8], $0x80, v4, vm1, $0xb8;
	[tilespmem:$0x10800] =	vst v63  }
0x69: {  	v3 =	vadd.s32 @!p0 v6, v3;
	s26 =	simm.s32 @!p0 $0x5800  }
0x6a: {  	[tilespmem:s26], [sflag:$0x1] =	stream.indirect_vreg.gather @!p0 [hbm4b:s6+s8], $0x80, v4, vm1, $0xb8;
	[tilespmem:$0x10800] =	vst v63  }
0x6b: {  	s26 =	simm.s32 @!p0 $0x6000  }
0x6c: {  	[tilespmem:s26], [sflag:$0x1] =	stream.indirect_vreg.gather @!p0 [hbm4b:s7+s8], $0x80, v4, vm1, $0xb8;
	[tilespmem:$0x10800] =	vst v63  }
0x6d: {  	s26 =	simm.s32 @!p0 $0x6800  }
0x6e: {  	[tilespmem:s26], [sflag:$0x1] =	stream.indirect_vreg.gather @!p0 [hbm4b:s1+s8], $0x80, v3, vm1, $0xb8;
	[tilespmem:$0x10800] =	vst v63  }
0x6f: {  	s26 =	simm.s32 @!p0 $0x7000  }
0x70: {  	[tilespmem:s26], [sflag:$0x1] =	stream.indirect_vreg.gather @!p0 [hbm4b:s5+s8], $0x80, v3, vm1, $0xb8;
	[tilespmem:$0x10800] =	vst v63  }
0x71: {  	s26 =	simm.s32 @!p0 $0x7800  }
0x72: {  	[tilespmem:s26], [sflag:$0x1] =	stream.indirect_vreg.gather @!p0 [hbm4b:s6+s8], $0x80, v3, vm1, $0xb8;
	[tilespmem:$0x10800] =	vst v63  }
0x73: {  	s26 =	simm.s32 @!p0 $0x8000  }
0x74: {  	[tilespmem:s26], [sflag:$0x1] =	stream.indirect_vreg.gather @!p0 [hbm4b:s7+s8], $0x80, v3, vm1, $0xb8;
	[tilespmem:$0x10800] =	vst v63  }
0x75: {  	_ =	swait.ge [sflag:s23], $0x8000  }
0x76: {  	[sflag:s23] =	ssyncset.done $0x0  }
0x77: {  	s8 =	simm.s32 $0x3;
	[sflag:s23] =	ssyncadd.s32 $0xFFFF8000  }
0x78: {  	[hbm4b:s9+s3] =	stream.linear.scatter [tilespmem:s28], [sflag:$0x3], $0x8000, $0x38;
	[tilespmem:$0x10800] =	vst v63  }
.LBB2_5:
0x79: {  	s4 =	sadd.s32 $0x1, s4  }
0x7a: {  	p0 =	sne.s32 s4, $0x10  }
.Ltmp3:
0x7b: {  	_ = 	snop;
	(pc) =	sbr.rel @!p0 .LBB2_6-.Ltmp3, $4  }
0x7c: {  	_ = 	snop  }
0x7d: {  	_ =	swait.ge [sflag:s8], $0x8000  }
0x7e: {  	[sflag:s8] =	ssyncset.done $0x0  }
0x7f: {  	s25 =	sadd.s32 $0x80, s25;
	s9 =	sadd.s32 $0x1000, s9;
	[sflag:s8] =	ssyncadd.s32 $0xFFFF8000  }
.LBB2_2:
0x80: {  	s8 =	sand.u32 $0x1, s4  }
0x81: {  	p0 =	seq.s32 s8, $0x1  }
.Ltmp4:
0x82: {  	_ = 	snop;
	(pc) =	sbr.rel @p0 .LBB2_4-.Ltmp4, $1  }
0x83: {  	_ =	sdelay $0x3  }
0x84: {  	v3 =	vld [tilespmem:s25+$0xFFFFFFF0];
	_ =	sdelay $0x4  }
0x85: {  	v4 =	vshll.u32 v3, $0x3  }
0x86: {  	v3 =	vand.u32 $0x7, v3;
	v4 =	vand.u32 $0xFFFFFFC0, v4  }
0x87: {  	v3 =	vor.u32 v3, v4  }
0x88: {  	v4 =	vperm.xlane v3, v0;
	_ =	sdelay $0x1  }
0x89: {  	v4 =	vadd.s32 v1, v4;
	_ =	sdelay $0x4  }
0x8a: {  	[tilespmem:s28], [sflag:$0x2] =	stream.indirect_vreg.gather [hbm4b:s1+s3], $0x80, v4, vm0, $0xb8;
	[tilespmem:$0x10800] =	vst v63  }
0x8b: {  	v3 =	vperm.xlane v3, v2  }
0x8c: {  	[tilespmem:s29], [sflag:$0x2] =	stream.indirect_vreg.gather [hbm4b:s5+s3], $0x80, v4, vm0, $0xb8;
	[tilespmem:$0x10800] =	vst v63  }
0x8d: {  	v3 =	vadd.s32 v1, v3  }
0x8e: {  	[tilespmem:s30], [sflag:$0x2] =	stream.indirect_vreg.gather [hbm4b:s6+s3], $0x80, v4, vm0, $0xb8;
	[tilespmem:$0x10800] =	vst v63  }
0x8f: {  	_ = 	snop  }
0x90: {  	[tilespmem:s31], [sflag:$0x2] =	stream.indirect_vreg.gather [hbm4b:s7+s3], $0x80, v4, vm0, $0xb8;
	[tilespmem:$0x10800] =	vst v63  }
0x91: {  	_ = 	snop  }
0x92: {  	[tilespmem:s0], [sflag:$0x2] =	stream.indirect_vreg.gather [hbm4b:s1+s3], $0x80, v3, vm0, $0xb8;
	[tilespmem:$0x10800] =	vst v63  }
0x93: {  	_ = 	snop  }
0x94: {  	[tilespmem:s2], [sflag:$0x2] =	stream.indirect_vreg.gather [hbm4b:s5+s3], $0x80, v3, vm0, $0xb8;
	[tilespmem:$0x10800] =	vst v63  }
0x95: {  	_ = 	snop  }
0x96: {  	[tilespmem:s12], [sflag:$0x2] =	stream.indirect_vreg.gather [hbm4b:s6+s3], $0x80, v3, vm0, $0xb8;
	[tilespmem:$0x10800] =	vst v63  }
0x97: {  	_ = 	snop  }
0x98: {  	[tilespmem:s13], [sflag:$0x2] =	stream.indirect_vreg.gather [hbm4b:s7+s3], $0x80, v3, vm0, $0xb8;
	[tilespmem:$0x10800] =	vst v63  }
0x99: {  	v3 =	vld [tilespmem:s25+$0x0];
	_ =	sdelay $0x4  }
0x9a: {  	v63 =	vshll.u32 v3, $0x3  }
0x9b: {  	v3 =	vand.u32 $0x7, v3;
	v4 =	vand.u32 $0xFFFFFFC0, v63  }
0x9c: {  	v3 =	vor.u32 v3, v4  }
0x9d: {  	v4 =	vperm.xlane v3, v0;
	_ =	sdelay $0x1  }
0x9e: {  	v4 =	vadd.s32 v1, v4;
	_ =	sdelay $0x4  }
0x9f: {  	[tilespmem:s14], [sflag:$0x2] =	stream.indirect_vreg.gather [hbm4b:s1+s3], $0x80, v4, vm0, $0xb8;
	[tilespmem:$0x10800] =	vst v63  }
0xa0: {  	v3 =	vperm.xlane v3, v2  }
0xa1: {  	[tilespmem:s15], [sflag:$0x2] =	stream.indirect_vreg.gather [hbm4b:s5+s3], $0x80, v4, vm0, $0xb8;
	[tilespmem:$0x10800] =	vst v63  }
0xa2: {  	v3 =	vadd.s32 v1, v3  }
0xa3: {  	[tilespmem:s16], [sflag:$0x2] =	stream.indirect_vreg.gather [hbm4b:s6+s3], $0x80, v4, vm0, $0xb8;
	[tilespmem:$0x10800] =	vst v63  }
0xa4: {  	_ = 	snop  }
0xa5: {  	[tilespmem:s17], [sflag:$0x2] =	stream.indirect_vreg.gather [hbm4b:s7+s3], $0x80, v4, vm0, $0xb8;
	[tilespmem:$0x10800] =	vst v63  }
0xa6: {  	_ = 	snop  }
0xa7: {  	[tilespmem:s18], [sflag:$0x2] =	stream.indirect_vreg.gather [hbm4b:s1+s3], $0x80, v3, vm0, $0xb8;
	[tilespmem:$0x10800] =	vst v63  }
0xa8: {  	_ = 	snop  }
0xa9: {  	[tilespmem:s19], [sflag:$0x2] =	stream.indirect_vreg.gather [hbm4b:s5+s3], $0x80, v3, vm0, $0xb8;
	[tilespmem:$0x10800] =	vst v63  }
0xaa: {  	_ = 	snop  }
0xab: {  	[tilespmem:s20], [sflag:$0x2] =	stream.indirect_vreg.gather [hbm4b:s6+s3], $0x80, v3, vm0, $0xb8;
	[tilespmem:$0x10800] =	vst v63  }
0xac: {  	_ = 	snop  }
0xad: {  	[tilespmem:s21], [sflag:$0x2] =	stream.indirect_vreg.gather [hbm4b:s7+s3], $0x80, v3, vm0, $0xb8;
	[tilespmem:$0x10800] =	vst v63  }
.Ltmp5:
0xae: {  	_ = 	snop;
	(pc) =	sbr.rel .LBB2_5-.Ltmp5, $4  }
0xaf: {  	_ =	swait.ge [sflag:s22], $0x8000  }
0xb0: {  	[sflag:s22] =	ssyncset.done $0x0  }
0xb1: {  	s8 =	simm.s32 $0x4;
	[sflag:s22] =	ssyncadd.s32 $0xFFFF8000  }
0xb2: {  	[hbm4b:s9+s3] =	stream.linear.scatter [tilespmem:s11], [sflag:$0x4], $0x8000, $0x38;
	[tilespmem:$0x10800] =	vst v63  }
.LBB2_7:
0xb3: {  	_ =	sfence.sel $0x180000  }
0xb4: {  	[bflag:$0x0] =	sbarrier.arrive $0xFFFF  }
0xb5: {  	_ =	strace $0x90000047  }
0xb6: {  	s0 =	stileid.u32;
	[bflag:$0x2] =	sbarrier.arrive $0xFFFF  }
0xb7: {  	p0 =	sne.s32 s0, $0x0;
	s0 =	rddreg [dreg:$0x3]  }
0xb8: {  	s0 =	sadd.s32 @!p0 $0x100000, s0  }
0xb9: {  	[sflag:s0] =	ssyncadd.tile.s32 @!p0 $0x1;
	_ =	shalt  }
.Lfunc_end2:
_tile_overlayer_lowered:
.L_overlay_start_2:
0xba: {  	(tag) =	ssettag $0x2  }
0xbb: {  	s0 =	rddreg [dreg:$0x0];
	s2 =	stileid.u32  }
0xbc: {  	s1 =	rddreg [dreg:$0x1];
	p0 =	sne.s32 s2, $0x0  }
0xbd: {  	s3 =	rddreg [dreg:$0x2];
	[bflag:$0x3] =	sbarrier.arrive $0xFFFF;
	s2 =	simm.s32 @!p0 $0x1C03  }
0xbe: {  	[timem:s3], [sflag:s2] =	dma.local @!p0 [hbm:s0], s1  }
0xbf: {  	s0 =	simm.s32 @!p0 $0x3  }
0xc0: {  	_ =	swait.ge @!p0 [sflag:s0], s1  }
0xc1: {  	s1 =	ssub.s32 @!p0 $0x0, s1;
	[sflag:s0] =	ssyncset.done @!p0 $0x0  }
0xc2: {  	[sflag:s0] =	ssyncadd.s32 @!p0 s1  }
0xc3: {  	[bflag:$0x3] =	sbarrier.arrive $0xFFFF  }
0xc4: {  	_ =	shalt  }

</sc_bundles>
